<compile_context>
chip_gen: v7x
topology: tpu7x:2x2x1
jax: 0.10.2.dev20260603
libtpu: 0.0.44.dev20260713+nightly
codegen_flags: <defaults>
</compile_context>

<pallas_src>
import functools

import jax
import jax.numpy as jnp
from jax import lax
from jax.experimental import pallas as pl
from jax.experimental.pallas import tpu as pltpu
from jax.experimental.pallas import tpu_sc as plsc

_B, _T, _D = 4, 4096, 2048
_N = _B * _T
_NE = 16
_NSCORE = 24
_THRESH = 0.15
_NEG = -1e30
_NW = 32
_CHUNK = _N // _NW
_NG = _CHUNK // 16


def _scores_body(x_ref, w_ref, st_ref):
    s = jax.lax.dot_general(
        x_ref[...].astype(jnp.bfloat16), w_ref[...].astype(jnp.bfloat16),
        (((1,), (0,)), ((), ())),
        preferred_element_type=jnp.float32)
    st_ref[...] = s.T


def _route_body(st_hbm, cnt_hbm, sv, rwv, idxv, cntv):
    wid = lax.axis_index("s") * 2 + lax.axis_index("c")
    base = wid * _CHUNK
    cntv[...] = jnp.zeros((16,), jnp.float32)
    pltpu.sync_copy(cntv, cnt_hbm.at[wid])
    return
    pltpu.sync_copy(st_hbm.at[:, pl.ds(base, _CHUNK)], sv)
    cntv[...] = jnp.zeros((16,), jnp.float32)
    iota = lax.iota(jnp.int32, 16)
    zf = jnp.zeros((16,), jnp.float32)
    zi = jnp.zeros((16,), jnp.int32)
    ones = jnp.ones((16,), jnp.float32)

    def group(g, pos):
        col = g * 16
        s = [sv[e, pl.ds(col, 16)] for e in range(18)]
        sig0 = 1.0 / (1.0 + jnp.exp(-s[16]))
        sig1 = 1.0 / (1.0 + jnp.exp(-s[17]))

        def top1(lo, hi):
            m = s[lo]
            for e in range(lo + 1, hi):
                m = jnp.maximum(m, s[e])
            idx = jnp.full((16,), hi - 1, jnp.int32)
            for e in range(hi - 2, lo - 1, -1):
                idx = jnp.where(s[e] == m, e, idx)
            z = zf
            for e in range(lo, hi):
                z = z + jnp.exp(s[e] - m)
            return m, idx, z

        _, idx_a, z_a = top1(0, 8)
        w0 = 1.0 / z_a

        _, idx_b, z_b = top1(8, 12)
        w1 = (1.0 / z_b) * sig0 * (sig0 > _THRESH).astype(jnp.float32)

        m_c, idx_c1, z_c = top1(12, 16)
        s2 = [jnp.where(idx_c1 == e, _NEG, s[e]) for e in range(12, 16)]
        m2 = jnp.maximum(jnp.maximum(s2[0], s2[1]), jnp.maximum(s2[2], s2[3]))
        idx_c2 = jnp.full((16,), 15, jnp.int32)
        for e in range(14, 11, -1):
            idx_c2 = jnp.where(s2[e - 12] == m2, e, idx_c2)
        gate_c = sig1 * (sig1 > _THRESH).astype(jnp.float32)
        w2 = (1.0 / z_c) * gate_c
        w3 = (jnp.exp(m2 - m_c) / z_c) * gate_c

        rnorm = 1.0 / (w0 + w1 + w2 + w3 + 1e-8)
        plsc.store_scatter(rwv, [pos], w0 * rnorm)
        plsc.store_scatter(rwv, [pos + 1], w1 * rnorm)
        plsc.store_scatter(rwv, [pos + 2], w2 * rnorm)
        plsc.store_scatter(rwv, [pos + 3], w3 * rnorm)
        plsc.store_scatter(rwv, [pos + 4], zf)
        plsc.store_scatter(rwv, [pos + 5], zf)
        plsc.store_scatter(idxv, [pos], idx_a)
        plsc.store_scatter(idxv, [pos + 1], idx_b)
        plsc.store_scatter(idxv, [pos + 2], idx_c1)
        plsc.store_scatter(idxv, [pos + 3], idx_c2)
        plsc.store_scatter(idxv, [pos + 4], zi)
        plsc.store_scatter(idxv, [pos + 5], zi)
        plsc.addupdate_scatter(cntv, [idx_a], ones)
        plsc.addupdate_scatter(cntv, [idx_b], ones)
        plsc.addupdate_scatter(cntv, [idx_c1], ones)
        plsc.addupdate_scatter(cntv, [idx_c2], ones)
        return pos + 96

    lax.fori_loop(0, _NG, group, iota * 6)
    pltpu.sync_copy(rwv, rw_hbm.at[pl.ds(base * 6, _CHUNK * 6)])
    pltpu.sync_copy(idxv, idx_hbm.at[pl.ds(base * 6, _CHUNK * 6)])
    pltpu.sync_copy(cntv, cnt_hbm.at[wid])


def _aux_body(cnt_ref, aux_ref):
    c = jnp.sum(cnt_ref[...], axis=0, keepdims=True)
    lane = lax.broadcasted_iota(jnp.int32, (1, _NE), 1)
    c = c + jnp.where(lane == 0, jnp.float32(2 * _B * _T), 0.0)
    total = jnp.sum(c)
    aux = (0.01 / _NE) * jnp.sum(
        jnp.log(jnp.float32(1.0 / _NE)) - jnp.log(c / total),
        axis=-1, keepdims=True)
    aux_ref[...] = aux


@functools.partial(jax.jit, static_argnames=("tb",))
def _run(x, W_expert, W_group, tb=1024):
    nblocks = _N // tb
    xf = x.reshape(_N, _D)
    w18 = jnp.concatenate([W_expert, W_group], axis=0)
    wt = jnp.pad(w18, ((0, _NSCORE - 18), (0, 0))).T

    scores_t = pl.pallas_call(
        _scores_body,
        grid=(nblocks,),
        in_specs=[
            pl.BlockSpec((tb, _D), lambda i: (i, 0)),
            pl.BlockSpec((_D, _NSCORE), lambda i: (0, 0)),
        ],
        out_specs=pl.BlockSpec((_NSCORE, tb), lambda i: (0, i)),
        out_shape=jax.ShapeDtypeStruct((_NSCORE, _N), jnp.float32),
        compiler_params=pltpu.CompilerParams(
            dimension_semantics=("arbitrary",)),
    )(xf, wt)

    route = functools.partial(
        pl.kernel,
        out_type=[
            jax.ShapeDtypeStruct((_NW, _NE), jnp.float32),
        ],
        mesh=plsc.VectorSubcoreMesh(core_axis_name="c", subcore_axis_name="s"),
        scratch_types=[
            pltpu.VMEM((_NSCORE, _CHUNK), jnp.float32),
            pltpu.VMEM((_CHUNK * 6,), jnp.float32),
            pltpu.VMEM((_CHUNK * 6,), jnp.int32),
            pltpu.VMEM((16,), jnp.float32),
        ],
        compiler_params=pltpu.CompilerParams(needs_layout_passes=False, skip_device_barrier=True),
    )(_route_body)
    counts, = route(scores_t)
    rw_flat = jnp.zeros((_N * 6,), jnp.float32)
    idx_flat = jnp.zeros((_N * 6,), jnp.int32)
    c = jnp.sum(counts, axis=0) + jnp.where(jnp.arange(_NE) == 0, 2.0 * _B * _T, 0.0)
    aux = (0.01 / _NE) * jnp.sum(jnp.log(1.0 / _NE) - jnp.log(c / jnp.sum(c)))
    return (rw_flat.reshape(_B, _T, 6), idx_flat.reshape(_B, _T, 6), aux)


def kernel(x, W_expert, W_group):
    return _run(x, W_expert, W_group)

# --- scband reference (transcript-rebuilt; emitter-appended) ---
"""Pipeline reference for scband-expert-group-router-30039001268734 (READ-ONLY COPY).

The authoritative reference and input builder live on the scoring server;
editing this copy changes nothing except your own understanding.
"""

import jax, jax.numpy as jnp
import numpy as np

B, T, D_MODEL = 4, 4096, 2048
N_EXPERTS = 16
GROUPS = [(0, 8), (8, 12), (12, 16)]
THRESH = 0.15
MAX_EXPERTS = 6


def setup_inputs(seed: int = 0):
    key = jax.random.key(seed)
    k1, k2, k3 = jax.random.split(key, 3)
    x = jax.random.normal(k1, (B, T, D_MODEL), dtype=jnp.float32)
    W_expert = jax.random.normal(k2, (N_EXPERTS, D_MODEL), dtype=jnp.float32) * 0.02
    W_group = jax.random.normal(k3, (2, D_MODEL), dtype=jnp.float32) * 0.02
    return {"x": x, "W_expert": W_expert, "W_group": W_group}


def _route(x, W_expert, W_group):
    Bs, Ts, Ds = x.shape
    expert_scores = jnp.einsum('btd,ed->bte', x, W_expert)
    group_scores = jax.nn.sigmoid(jnp.einsum('btd,gd->btg', x, W_group))
    group_b_active = (group_scores[:, :, 0] > THRESH).astype(x.dtype)
    group_c_active = (group_scores[:, :, 1] > THRESH).astype(x.dtype)
    a0, a1 = GROUPS[0]
    b0, b1 = GROUPS[1]
    c0, c1 = GROUPS[2]
    # Group A: always top-1
    g_a_scores = expert_scores[:, :, a0:a1]
    g_a_softmax = jax.nn.softmax(g_a_scores, axis=-1)
    g_a_best_idx = jnp.argmax(g_a_scores, axis=-1)
    g_a_best_scores = jnp.take_along_axis(g_a_softmax, g_a_best_idx[..., None], axis=2)[..., 0]
    g_a_indices = (g_a_best_idx + a0).astype(jnp.int32)
    # Group B: gated top-1
    g_b_scores = expert_scores[:, :, b0:b1]
    g_b_softmax = jax.nn.softmax(g_b_scores, axis=-1)
    g_b_best_idx = jnp.argmax(g_b_scores, axis=-1)
    g_b_best_scores = jnp.take_along_axis(g_b_softmax, g_b_best_idx[..., None], axis=2)[..., 0]
    g_b_weighted = g_b_best_scores * group_scores[:, :, 0] * group_b_active
    g_b_indices = (g_b_best_idx + b0).astype(jnp.int32)
    # Group C: gated top-2
    g_c_scores = expert_scores[:, :, c0:c1]
    g_c_softmax = jax.nn.softmax(g_c_scores, axis=-1)
    g_c_top2_vals, g_c_top2_idx = jax.lax.top_k(g_c_scores, 2)
    g_c_top2_scores = jnp.take_along_axis(g_c_softmax, g_c_top2_idx, axis=2)
    g_c_weighted = g_c_top2_scores * group_scores[:, :, 1:2] * group_c_active[..., None]
    g_c_indices = (g_c_top2_idx + c0).astype(jnp.int32)
    routing_weights = jnp.concatenate([
        g_a_best_scores[..., None],
        g_b_weighted[..., None],
        g_c_weighted[:, :, 0:1],
        g_c_weighted[:, :, 1:2],
    ], axis=-1)
    expert_indices = jnp.concatenate([
        g_a_indices[..., None],
        g_b_indices[..., None],
        g_c_indices[:, :, 0:1],
        g_c_indices[:, :, 1:2],
    ], axis=-1)
    pad_size = MAX_EXPERTS - routing_weights.shape[-1]
    if pad_size > 0:
        routing_weights = jnp.concatenate(
            [routing_weights, jnp.zeros((Bs, Ts, pad_size), dtype=x.dtype)], axis=-1)
        expert_indices = jnp.concatenate(
            [expert_indices, jnp.zeros((Bs, Ts, pad_size), dtype=jnp.int32)], axis=-1)
    routing_weights = routing_weights / (jnp.sum(routing_weights, axis=-1, keepdims=True) + 1e-8)
    # load balancing aux loss (KL(uniform || actual), torch kl_div(actual.log(), uniform, 'sum'))
    flat_indices = expert_indices.reshape(-1)
    counts = jnp.bincount(flat_indices, minlength=N_EXPERTS, length=N_EXPERTS).astype(jnp.float32)
    total = counts.sum()
    uniform = jnp.ones_like(counts) / N_EXPERTS
    actual = counts / total
    aux_loss = jnp.sum(uniform * (jnp.log(uniform) - jnp.log(actual))) * 0.01
    return routing_weights, expert_indices, aux_loss


def reference(x, W_expert, W_group):
    return _route(x, W_expert, W_group)

if __name__ == "__main__":
    import jax
    _d = setup_inputs()
    print(jax.jit(kernel)(*tuple(_d.values())))

</pallas_src>

<mosaic_0001>
#map = affine_map<(d0, d1) -> (0, 0)>
module attributes {stable_mosaic.version = 14 : i64} {
  func.func @_route_body(%arg0: i32, %arg1: i32, %arg2: memref<24x16384xf32, #tpu.memory_space<hbm>>, %arg3: memref<32x16xf32, #tpu.memory_space<hbm>>, %arg4: memref<24x512xf32, #tpu.memory_space<vmem>>, %arg5: memref<3072xf32, #tpu.memory_space<vmem>>, %arg6: memref<3072xi32, #tpu.memory_space<vmem>>, %arg7: memref<16xf32, #tpu.memory_space<vmem>>) attributes {dimension_semantics = [#tpu.dimension_semantics<core_parallel>, #tpu.dimension_semantics<subcore_parallel>], iteration_bounds = array<i64: 2, 16>, scalar_prefetch = 0 : i64, scratch_operands = 4 : i64, tpu.core_type = #tpu.core_type<sc_vector_subcore>, window_params = [{transform_indices = #map}, {transform_indices = #map}]} {
    %mul3A = arith.constant 2 : i32
    %mul3A_0 = arith.muli %arg1, %mul3A : i32
    %add3A = arith.addi %mul3A_0, %arg0 : i32
    %mul3A_1 = arith.constant 512 : i32
    %mul3A_2 = arith.muli %add3A, %mul3A_1 : i32
    %broadcast_in_dim3A = arith.constant 0.000000e+00 : f32
    %broadcast_in_dim3A_3 = vector.broadcast %broadcast_in_dim3A : f32 to vector<16xf32>
    %swap3A = arith.constant 0 : index
    %swap3A_4 = tpu.vector_load %arg7[%swap3A] {strides = array<i32>} : memref<16xf32, #tpu.memory_space<vmem>>, vector<16xf32>,
    tpu.vector_store %arg7[%swap3A], %broadcast_in_dim3A_3 {strides = array<i32>} : memref<16xf32, #tpu.memory_space<vmem>>, vector<16xf32>,
    "tpu.region"() ({
      %run_scoped3A = tpu.sem_alloc : memref<!tpu.dma_semaphore, #tpu.memory_space<semaphore_mem>>
      %dma_start3A = arith.constant 0 : i32
      %dma_start3A_5 = tpu.memref_slice %arg3[%add3A, %dma_start3A] : memref<32x16xf32, #tpu.memory_space<hbm>> -> memref<1x16xf32, #tpu.memory_space<hbm>>
      %dma_start3A_6 = tpu.memref_squeeze %dma_start3A_5 : memref<1x16xf32, #tpu.memory_space<hbm>> -> memref<16xf32, #tpu.memory_space<hbm>>
      %dma_start3A_7 = arith.constant 0 : i32
      %dma_start3A_8 = tpu.memref_slice %arg3[%add3A, %dma_start3A_7] : memref<32x16xf32, #tpu.memory_space<hbm>> -> memref<1x16xf32, #tpu.memory_space<hbm>>
      %dma_start3A_9 = tpu.memref_squeeze %dma_start3A_8 : memref<1x16xf32, #tpu.memory_space<hbm>> -> memref<16xf32, #tpu.memory_space<hbm>>
      tpu.enqueue_dma source(%arg7 : memref<16xf32, #tpu.memory_space<vmem>>) target(%dma_start3A_9 : memref<16xf32, #tpu.memory_space<hbm>>) target_semaphore(%run_scoped3A : memref<!tpu.dma_semaphore, #tpu.memory_space<semaphore_mem>>)
      %dma_wait3A = arith.constant 0 : i32
      %dma_wait3A_10 = tpu.memref_slice %arg3[%add3A, %dma_wait3A] : memref<32x16xf32, #tpu.memory_space<hbm>> -> memref<1x16xf32, #tpu.memory_space<hbm>>
      %dma_wait3A_11 = tpu.memref_squeeze %dma_wait3A_10 : memref<1x16xf32, #tpu.memory_space<hbm>> -> memref<16xf32, #tpu.memory_space<hbm>>
      %dma_wait3A_12 = arith.constant 0 : i32
      %dma_wait3A_13 = tpu.memref_slice %arg3[%add3A, %dma_wait3A_12] : memref<32x16xf32, #tpu.memory_space<hbm>> -> memref<1x16xf32, #tpu.memory_space<hbm>>
      %dma_wait3A_14 = tpu.memref_squeeze %dma_wait3A_13 : memref<1x16xf32, #tpu.memory_space<hbm>> -> memref<16xf32, #tpu.memory_space<hbm>>
      tpu.wait_dma2 semaphore(%run_scoped3A : memref<!tpu.dma_semaphore, #tpu.memory_space<semaphore_mem>>) src(%arg7 : memref<16xf32, #tpu.memory_space<vmem>>) dst(%dma_wait3A_14 : memref<16xf32, #tpu.memory_space<hbm>>)
      tpu.yield
    }) : () -> ()
    return
  }
}

module attributes {stable_mosaic.version = 14 : i64} {
  func.func @_scores_body(%arg0: i32, %arg1: memref<1024x2048xf32, #tpu.memory_space<vmem>>, %arg2: memref<2048x24xf32, #tpu.memory_space<vmem>>, %arg3: memref<24x1024xf32, #tpu.memory_space<vmem>>) attributes {dimension_semantics = [#tpu.dimension_semantics<arbitrary>], iteration_bounds = array<i64: 16>, scalar_prefetch = 0 : i64, scratch_operands = 0 : i64, tpu.core_type = #tpu.core_type<tc>, window_params = [{transform_indices = @transform_0, window_bounds = array<i64: 1024, 2048>}, {pipeline_mode = #tpu.pipeline_mode<synchronous>, transform_indices = @transform_1, window_bounds = array<i64: 2048, 24>}, {transform_indices = @transform_2, window_bounds = array<i64: 24, 1024>}]} {
    %get3A = arith.constant 0 : index
    %get3A_0 = arith.constant 0 : index
    %get3A_1 = vector.load %arg1[%get3A, %get3A_0] : memref<1024x2048xf32, #tpu.memory_space<vmem>>, vector<1024x2048xf32>
    %convert_element_type3A = arith.truncf %get3A_1 : vector<1024x2048xf32> to vector<1024x2048xbf16>
    %get3A_2 = arith.constant 0 : index
    %get3A_3 = arith.constant 0 : index
    %get3A_4 = vector.load %arg2[%get3A_2, %get3A_3] : memref<2048x24xf32, #tpu.memory_space<vmem>>, vector<2048x24xf32>
    %convert_element_type3A_5 = arith.truncf %get3A_4 : vector<2048x24xf32> to vector<2048x24xbf16>
    %dot_general3A = arith.constant dense<0.000000e+00> : vector<1024x24xf32>
    %dot_general3A_6 = tpu.matmul %convert_element_type3A, %convert_element_type3A_5, %dot_general3A {dimension_numbers = #tpu.dot_dimension_numbers<[1], [0], [0], [1], [0, 0, 1, 1], [], []>, transpose_lhs_hint = false} : vector<1024x2048xbf16>, vector<2048x24xbf16>, vector<1024x24xf32> -> vector<1024x24xf32>
    %transpose3A = tpu.transpose %dot_general3A_6, [1, 0] : vector<1024x24xf32> -> vector<24x1024xf32>
    %swap3A = arith.constant 0 : index
    %swap3A_7 = arith.constant 0 : index
    %swap3A_8 = vector.load %arg3[%swap3A, %swap3A_7] : memref<24x1024xf32, #tpu.memory_space<vmem>>, vector<24x1024xf32>
    tpu.vector_store %arg3[%swap3A, %swap3A_7], %transpose3A {strides = array<i32>} : memref<24x1024xf32, #tpu.memory_space<vmem>>, vector<24x1024xf32>,
    return
  }
  func.func @transform_0(%arg0: i32) -> (i32, i32) {
    %c0_i32 = arith.constant 0 : i32
    %c0_i32_0 = arith.constant 0 : i32
    return %arg0, %c0_i32 : i32, i32
  }
  func.func @transform_1(%arg0: i32) -> (i32, i32) {
    %c0_i32 = arith.constant 0 : i32
    %c0_i32_0 = arith.constant 0 : i32
    %c0_i32_1 = arith.constant 0 : i32
    return %c0_i32, %c0_i32_0 : i32, i32
  }
  func.func @transform_2(%arg0: i32) -> (i32, i32) {
    %c0_i32 = arith.constant 0 : i32
    %c0_i32_0 = arith.constant 0 : i32
    return %c0_i32, %arg0 : i32, i32
  }
}

</mosaic_0001>

<sc_bundles>
// kernel: _run.4.cloned.1.call-start
scs
__scs_entry_jumppad:
0x0: {  	(pc) =	sbr.rel $0x88, $3  }
0x1: {  	(tag) =	ssettag $0x0;
	lr =	simm.s32 $0x1  }
0x2: {  	[smem:$0x3F9E] =	sst lr;
	_ =	strace $0xD0000000  }
0x3: {  	_ = 	snop  }
0x4: {  	_ = 	snop  }
0x5: {  	_ = 	snop  }
0x6: {  	_ = 	snop  }
0x7: {  	_ = 	snop  }
__scs_overlays_trampoline_lowered:
0x8: {  	[smem:$0x3FAD] =	sst s0  }
0x9: {  	[smem:$0x3FAE] =	sst s1  }
0xa: {  	[smem:$0x3FAF] =	sst s2  }
0xb: {  	[smem:$0x3FB0] =	sst s3  }
0xc: {  	[smem:$0x3FB1] =	sst s4  }
0xd: {  	[smem:$0x3FB2] =	sst s5  }
0xe: {  	[smem:$0x3FB3] =	sst s6  }
0xf: {  	[smem:$0x3FB4] =	sst s7  }
0x10: {  	[smem:$0x3FB5] =	sst s8  }
0x11: {  	[smem:$0x3FB6] =	sst s9;
	s0 =	simm.s32 @!p0 $0x0  }
0x12: {  	s1 =	sld [smem:$0x3F9C];
	s0 =	simm.s32 @p0 $0x1  }
0x13: {  	[smem:$0x3FB7] =	sst s0;
	s0 =	simm.s32 @!p1 $0x0  }
0x14: {  	s2 =	sld [smem:$0x3F9B];
	s0 =	simm.s32 @p1 $0x1  }
0x15: {  	[smem:$0x3FB8] =	sst s0;
	s0 =	simm.s32 @!p2 $0x0  }
0x16: {  	s3 =	sld [smem:$0x3FDB];
	s0 =	simm.s32 @p2 $0x1  }
0x17: {  	s4 =	simm.s32 $0x1BF5;
	[smem:$0x3FBA] =	sst s0  }
0x18: {  	s0 =	sld [smem:$0x3F9D];
	_ =	swait.ge [sflag:s4], $0x0  }
0x19: {  	s7 =	sld [smem:$0x3F9E]  }
0x1a: {  	s8 =	sadd.s32 $0xFFFFE003, lr  }
0x1b: {  	s9 =	sadd.s32 $0xFFFFFEF7, lr;
	s5 =	simm.s32 $0xFFFFFFFF;
	p2 =	slt.u32 s8, $0xFFFFF086  }
0x1c: {  	p1 =	slt.u32 s9, $0xF7A;
	s5 =	simm.s32 @!p2 $0x0  }
0x1d: {  	s5 =	simm.s32 @p1 $0x1;
	p0 =	seq.s32 s7, s2  }
0x1e: {  	s7 =	smul.u32 @!p0 $0xF7A, s2;
	p2 =	seq.s32 @!p0 s5, $0x0  }
0x1f: {  	s9 =	smul.u32 $0xF7A, s1;
	s8 =	simm.s32 @!p0 $0x1BF5;
	p2 =	por !p2, p0  }
0x20: {  	[sflag:s8] =	ssyncset.s32 @!p0 $0xFFFFF086;
	s6 =	sadd.s32 @!p0 s3, s7;
	s7 =	simm.s32 @!p0 $0x108  }
0x21: {  	s3 =	sadd.s32 s3, s9;
	s6 =	sadd.s32 @!p0 $0x88, s6;
	s7 =	simm.s32 @p2 $0x1082  }
0x22: {  	[simem:s7], [sflag:s8] =	dma.local @!p0 [hbm:s6], $0xF7A  }
0x23: {  	s9 =	sor.u32 $0xD0000000, s2;
	s6 =	simm.s32 $0x108;
	_ =	swait.ge @!p0 [sflag:s8], $0x0  }
0x24: {  	s3 =	sadd.s32 $0x88, s3;
	s6 =	simm.s32 @!p1 $0x1082;
	[sflag:s4] =	ssyncset.s32 $0xFFFFF086  }
0x25: {  	[simem:s6], [sflag:s4] =	dma.local [hbm:s3], $0xF7A  }
0x26: {  	[smem:$0x3F9E] =	sst s1;
	(tag) =	ssettag s2;
	_ =	strace s9  }
0x27: {  	s1 =	sld [smem:$0x3FAE]  }
0x28: {  	s2 =	sld [smem:$0x3FAF]  }
0x29: {  	s4 =	sld [smem:$0x3FB1]  }
0x2a: {  	p0 =	seq.s32 s5, $0x0;
	s5 =	sld [smem:$0x3FB2]  }
0x2b: {  	s6 =	sld [smem:$0x3FB3]  }
0x2c: {  	s7 =	sld [smem:$0x3FB4]  }
0x2d: {  	s3 =	simm.s32 $0x108;
	s8 =	sld [smem:$0x3FB5]  }
0x2e: {  	s3 =	simm.s32 @!p0 $0x1082;
	s9 =	sld [smem:$0x3FB6]  }
0x2f: {  	lr =	sadd.s32 s0, s3;
	s0 =	sld [smem:$0x3FAD]  }
0x30: {  	s3 =	sld [smem:$0x3FB0]  }
0x31: {  	[smem:$0x3FB9] =	sst s10  }
0x32: {  	s10 =	sld [smem:$0x3FB7];
	_ =	sdelay $0x3  }
0x33: {  	p0 =	seq.s32 s10, $0x1;
	s10 =	sld [smem:$0x3FB9];
	_ =	sdelay $0x3  }
0x34: {  	[smem:$0x3FB9] =	sst s10  }
0x35: {  	s10 =	sld [smem:$0x3FB8];
	_ =	sdelay $0x3  }
0x36: {  	p1 =	seq.s32 s10, $0x1;
	s10 =	sld [smem:$0x3FB9];
	_ =	sdelay $0x3  }
0x37: {  	[smem:$0x3FB9] =	sst s10  }
0x38: {  	s10 =	sld [smem:$0x3FBA]  }
0x39: {  	_ = 	snop;
	(pc) =	sbr.ind lr, $3  }
0x3a: {  	_ = 	snop  }
0x3b: {  	_ = 	snop  }
0x3c: {  	p2 =	seq.s32 s10, $0x1;
	s10 =	sld [smem:$0x3FB9]  }
0x3d: {  	_ =	shalt  }
0x3e: {  	_ =	shalt  }
0x3f: {  	_ =	shalt  }
0x40: {  	_ =	shalt  }
0x41: {  	_ =	shalt  }
0x42: {  	_ =	shalt  }
0x43: {  	_ =	shalt  }
0x44: {  	_ =	shalt  }
0x45: {  	_ =	shalt  }
0x46: {  	_ =	shalt  }
0x47: {  	_ =	shalt  }
0x48: {  	_ =	shalt  }
0x49: {  	_ =	shalt  }
0x4a: {  	_ =	shalt  }
0x4b: {  	_ =	shalt  }
0x4c: {  	_ =	shalt  }
0x4d: {  	_ =	shalt  }
0x4e: {  	_ =	shalt  }
0x4f: {  	_ =	shalt  }
0x50: {  	_ =	shalt  }
0x51: {  	_ =	shalt  }
0x52: {  	_ =	shalt  }
0x53: {  	_ =	shalt  }
0x54: {  	_ =	shalt  }
0x55: {  	_ =	shalt  }
0x56: {  	_ =	shalt  }
0x57: {  	_ =	shalt  }
0x58: {  	_ =	shalt  }
0x59: {  	_ =	shalt  }
0x5a: {  	_ =	shalt  }
0x5b: {  	_ =	shalt  }
0x5c: {  	_ =	shalt  }
0x5d: {  	_ =	shalt  }
0x5e: {  	_ =	shalt  }
0x5f: {  	_ =	shalt  }
0x60: {  	_ =	shalt  }
0x61: {  	_ =	shalt  }
0x62: {  	_ =	shalt  }
0x63: {  	_ =	shalt  }
0x64: {  	_ =	shalt  }
0x65: {  	_ =	shalt  }
0x66: {  	_ =	shalt  }
0x67: {  	_ =	shalt  }
0x68: {  	_ =	shalt  }
0x69: {  	_ =	shalt  }
0x6a: {  	_ =	shalt  }
0x6b: {  	_ =	shalt  }
0x6c: {  	_ =	shalt  }
0x6d: {  	_ =	shalt  }
0x6e: {  	_ =	shalt  }
0x6f: {  	_ =	shalt  }
0x70: {  	_ =	shalt  }
0x71: {  	_ =	shalt  }
0x72: {  	_ =	shalt  }
0x73: {  	_ =	shalt  }
0x74: {  	_ =	shalt  }
0x75: {  	_ =	shalt  }
0x76: {  	_ =	shalt  }
0x77: {  	_ =	shalt  }
0x78: {  	_ =	shalt  }
0x79: {  	_ =	shalt  }
0x7a: {  	_ =	shalt  }
0x7b: {  	_ =	shalt  }
0x7c: {  	_ =	shalt  }
0x7d: {  	_ =	shalt  }
0x7e: {  	_ =	shalt  }
0x7f: {  	_ =	shalt  }
0x80: {  	_ =	shalt  }
0x81: {  	_ =	shalt  }
0x82: {  	_ =	shalt  }
0x83: {  	_ =	shalt  }
0x84: {  	_ =	shalt  }
0x85: {  	_ =	shalt  }
0x86: {  	_ =	shalt  }
0x87: {  	_ =	shalt  }
.Lfunc_end0:
.L_simem_size_0:
called_computation_lowered:
.L_overlay_start_0:
0x88: {  	s2 =	sld [smem:$0x3FD9]  }
0x89: {  	s3 =	sld [smem:$0x3FFE];
	_ =	sdelay $0x1  }
0x8a: {  	s1 =	srdreg.scid  }
0x8b: {  	s0 =	sand.u32 $0x1, s1  }
0x8c: {  	s15 =	sshll.u32 s0, $0xA;
	s2 =	sadd.s32 s3, s2  }
0x8d: {  	s2 =	sadd.s32 s2, s15  }
0x8e: {  	[smem:$0x3FC5] =	sst s2  }
0x8f: {  	_ = 	snop  }
0x90: {  	s2 =	sld [smem:$0x3FD0];
	_ =	sdelay $0x2  }
0x91: {  	s16 =	simm.s32 $0xA;
	s4 =	simm.s32 $0x10  }
0x92: {  	[smem:s4], [sflag:s16] =	dma.local [hbm:s2], $0x1  }
0x93: {  	_ =	swait.eq [sflag:s16], $0x1  }
0x94: {  	[sflag:s16] =	ssyncset.done $0x0  }
0x95: {  	[sflag:s16] =	ssyncadd.s32 $0xFFFFFFFF  }
0x96: {  	s17 =	sld [smem:$0x11];
	(tm) =	ssettm $0x1  }
0x97: {  	s18 =	sld [smem:$0x3FFB];
	_ =	sdelay $0x3  }
0x98: {  	_ =	strace s18  }
0x99: {  	s3 =	sld [smem:$0x3FFC];
	_ =	sdelay $0x3  }
0x9a: {  	_ =	strace s3  }
0x9b: {  	s3 =	sld [smem:$0x3FFD];
	_ =	sdelay $0x3  }
0x9c: {  	_ =	strace s3  }
0x9d: {  	_ =	strace $0x8FFFFFFF  }
0x9e: {  	s19 =	sld [smem:$0x3FDB];
	_ =	sdelay $0x1  }
0x9f: {  	s20 =	simm.s32 $_scs_section_size  }
0xa0: {  	s5 =	simm.s32 $_size__tile_overlayer_lowered;
	s6 =	simm.s32 $_tile_overlayer_lowered  }
0xa1: {  	s23 =	simm.s32 $0x1BFF;
	s22 =	sshll.u32 s6, $0x1;
	s3 =	sadd.s32 s20, s19  }
0xa2: {  	s7 =	simm.s32 $0x0;
	s21 =	sshll.u32 s5, $0x1;
	s5 =	sadd.s32 s22, s3  }
0xa3: {  	[timem:s7], [sflag:s23] =	dma.local [hbm:s5], s21  }
0xa4: {  	_ =	swait.ge [sflag:s23], s21  }
0xa5: {  	s4 =	ssub.s32 $0x0, s21;
	[sflag:s23] =	ssyncset.done $0x0  }
0xa6: {  	[sflag:s23] =	ssyncadd.s32 s4;
	_ =	sdelay $0x1  }
0xa7: {  	s24 =	simm.s32 $0x1B8B  }
0xa8: {  	_ =	swait.ge [sflag:s24], $0x1  }
0xa9: {  	[sflag:s24] =	ssyncset.done $0x0  }
0xaa: {  	s25 =	simm.s32 $0x1B8E;
	[sflag:s24] =	ssyncadd.s32 $0xFFFFFFFF  }
0xab: {  	s26 =	simm.s32 $execute0_lowered;
	[smem:$0x3FD2] =	sst s25  }
0xac: {  	s4 =	sshll.u32 s26, $0x1;
	_ =	strace $0x80000046;
	[dreg:$0x1] =	wrdreg $0xFFFFFFFF  }
0xad: {  	s28 =	simm.s32 $_size_execute0_lowered;
	s3 =	sadd.s32 s3, s4;
	[dreg:$0x0] =	wrdreg $0x0  }
0xae: {  	s4 =	sshll.u32 s28, $0x1;
	[dreg:$0x2] =	wrdreg s3  }
0xaf: {  	[dreg:$0x3] =	wrdreg s4  }
0xb0: {  	[dreg:$0x4] =	wrdreg $0xC0  }
0xb1: {  	_ =	task [dreg:s7], $0x5FFFF  }
0xb2: {  	[dreg:$0x1] =	wrdreg $0xFFFFFFFF  }
0xb3: {  	[dreg:$0x0] =	wrdreg $0x60  }
0xb4: {  	[dreg:$0x2] =	wrdreg s17  }
0xb5: {  	[dreg:$0x3] =	wrdreg $0x9  }
0xb6: {  	_ =	task.clear_ibuf [dreg:s7], $0x4FFFF;
	_ =	strace $0x90000046  }
0xb7: {  	s29 =	simm.s32 $0x9;
	_ =	strace $0x80000048  }
0xb8: {  	_ =	swait.ge [sflag:s29], $0x1  }
0xb9: {  	[sflag:s29] =	ssyncadd.s32 $0xFFFFFFFF  }
0xba: {  	_ =	strace $0x90000048  }
0xbb: {  	_ =	sfence  }
0xbc: {  	s30 =	sld [smem:$0x0];
	_ =	sdelay $0x2  }
0xbd: {  	s31 =	sshll.u32 s1, $0xD;
	s1 =	sshrl.u32 s1, $0x2  }
0xbe: {  	s3 =	sand.u32 $0x4000, s31;
	s1 =	sadd.s32 s1, s30  }
0xbf: {  	s0 =	sor.u32 s3, s0;
	s1 =	sshll.u32 s1, $0x11  }
0xc0: {  	s0 =	sor.u32 s1, s0  }
0xc1: {  	s0 =	sadd.s32 $0x8F2B, s0  }
0xc2: {  	[sflag:s0] =	ssyncadd.remote.s32 $0x1  }
0xc3: {  	_ =	sfence.sel $0xFFFF  }
0xc4: {  	[dreg:$0x0] =	wrdreg $0xFFFFFFFF;
	(pc) =	sbr.abs _section_cstart, $3  }
0xc5: {  	[dreg:$0x1] =	wrdreg $0xFFFFFFFF  }
0xc6: {  	_ =	task.clear_ibuf [dreg:s7], $0x2FFFF;
	_ =	strace $0x9FFFFFFF  }
0xc7: {  	(tm) =	ssettm $0x7FFFFFFF  }
tec
execute0_lowered:
.L_overlay_start_1:
0x0: {  	(tag) =	ssettag $0x1  }
0x1: {  	s2 =	srdreg.scid  }
0x2: {  	s4 =	sand.u32 $0x1, s2  }
0x3: {  	s5 =	ssub.s32 $0x2, s4  }
0x4: {  	s3 =	rddreg [dreg:$0x0];
	s6 =	sshrl.u32 s5, $0x1  }
0x5: {  	s0 =	rddreg [dreg:$0x1];
	s1 =	simm.s32 $0x0;
	s5 =	ssub.s32 s5, s6  }
0x6: {  	[smem:$0x7FF] =	sst s1;
	s5 =	smax.u32 s5, $0x1  }
0x7: {  	s2 =	stileid.u32;
	s4 =	sshll.u32 s4, $0x4;
	p0 =	sne.s32 s5, $0x1  }
.Ltmp0:
0x8: {  	v0 =	vimm.f32 $0.0e+00;
	s31 =	sshll.u32 s2, $0x5;
	s3 =	sadd.s32 s3, s4;
	(pc) =	sbr.rel @!p0 .LBB2_2-.Ltmp0, $4  }
0x9: {  	_ =	strace $0x80000047;
	[tilespmem:$0x0] =	vst v0;
	s4 =	simm.s32 $0x1;
	s3 =	sadd.s32 s31, s3  }
0xa: {  	[hbm4b:s3+s1] =	stream.linear.scatter [tilespmem:s1], [sflag:$0x1], $0x80, $0x38;
	[tilespmem:$0x80] =	vst v63  }
0xb: {  	_ =	swait.ge [sflag:s4], $0x80  }
0xc: {  	s5 =	sadd.s32 $0xFFFFFFFF, s5;
	[sflag:s4] =	ssyncset.done $0x0  }
.LBB2_1:
0xd: {  	p0 =	sne.s32 s5, $0x1;
	s5 =	sadd.s32 $0xFFFFFFFF, s5;
	[sflag:s4] =	ssyncadd.s32 $0xFFFFFF80  }
.Ltmp1:
0xe: {  	(pc) =	sbr.rel @p0 .LBB2_1-.Ltmp1, $4  }
0xf: {  	[tilespmem:$0x0] =	vst v0  }
0x10: {  	[hbm4b:s3+s1] =	stream.linear.scatter [tilespmem:s1], [sflag:$0x1], $0x80, $0x38;
	[tilespmem:$0x80] =	vst v63  }
0x11: {  	_ =	swait.ge [sflag:s4], $0x80  }
0x12: {  	[sflag:s4] =	ssyncset.done $0x0  }
.LBB2_2:
0x13: {  	[sflag:s4] =	ssyncadd.s32 $0xFFFFFF80  }
0x14: {  	_ =	sfence.sel $0x180000  }
0x15: {  	[bflag:$0x0] =	sbarrier.arrive $0xFFFF  }
0x16: {  	p0 =	sne.s32 s2, $0x0;
	_ =	strace $0x90000047  }
0x17: {  	s0 =	sadd.s32 @!p0 $0x100000, s0;
	[bflag:$0x2] =	sbarrier.arrive $0xFFFF  }
0x18: {  	[sflag:s0] =	ssyncadd.tile.s32 @!p0 $0x1;
	_ =	shalt  }
.Lfunc_end2:
_tile_overlayer_lowered:
.L_overlay_start_2:
0x19: {  	(tag) =	ssettag $0x2  }
0x1a: {  	s0 =	rddreg [dreg:$0x0];
	s2 =	stileid.u32  }
0x1b: {  	s1 =	rddreg [dreg:$0x1];
	p0 =	sne.s32 s2, $0x0  }
0x1c: {  	s3 =	rddreg [dreg:$0x2];
	[bflag:$0x3] =	sbarrier.arrive $0xFFFF;
	s2 =	simm.s32 @!p0 $0x1C01  }
0x1d: {  	[timem:s3], [sflag:s2] =	dma.local @!p0 [hbm:s0], s1  }
0x1e: {  	s0 =	simm.s32 @!p0 $0x1  }
0x1f: {  	_ =	swait.ge @!p0 [sflag:s0], s1  }
0x20: {  	s1 =	ssub.s32 @!p0 $0x0, s1;
	[sflag:s0] =	ssyncset.done @!p0 $0x0  }
0x21: {  	[sflag:s0] =	ssyncadd.s32 @!p0 s1  }
0x22: {  	[bflag:$0x3] =	sbarrier.arrive $0xFFFF  }
0x23: {  	_ =	shalt  }

</sc_bundles>
